<compile_context>
chip_gen: v7x
topology: tpu7x:2x2x1
jax: 0.10.2.dev20260603
libtpu: 0.0.44.dev20260713+nightly
codegen_flags: <defaults>
</compile_context>

<pallas_src>
import functools

import jax
import jax.numpy as jnp
from jax import lax
from jax.experimental import pallas as pl
from jax.experimental.pallas import tpu as pltpu
from jax.experimental.pallas import tpu_sc as plsc

_NE = 8192
_D = 256
_MBLK = 512
_NBLK = 2048
_WIN = 2736
_GATHER_CHUNK = 128
_IMAX = 2**31 - 1
_NINF = float("-inf")


def _l2n(x):
    n = jnp.linalg.norm(x, axis=-1, keepdims=True)
    return x / jnp.clip(n, 1e-12)


def _bf16_round(x):
    return x.astype(jnp.bfloat16).astype(jnp.float32)


def _vq_block(ez_ref, et_ref, idx_ref):
    a = ez_ref[...]
    wm = [None, None, None]
    wi = [None, None, None]
    for j in range(_NE // _NBLK):
        c0 = j * _NBLK
        sim = jnp.dot(a, et_ref[:, c0:c0 + _NBLK],
                      preferred_element_type=jnp.float32)
        col = lax.broadcasted_iota(jnp.int32, sim.shape, 1) + c0
        segs = []
        for w in range(3):
            lo, hi = w * _WIN, min((w + 1) * _WIN, _NE)
            slo, shi = max(lo, c0), min(hi, c0 + _NBLK)
            if slo < shi:
                segs.append((w, lo, hi, slo - c0, shi - c0))
        for w, lo, hi, slo, shi in segs:
            if shi - slo == _NBLK:
                sm = sim
            else:
                inw = (col >= lo) & (col < hi)
                sm = jnp.where(inw, sim, _NINF)
            m = jnp.max(sm, axis=1, keepdims=True)
            cand = jnp.where(sm == m, col, _IMAX)
            i = jnp.min(cand, axis=1, keepdims=True)
            if wm[w] is None:
                wm[w], wi[w] = m, i
            else:
                take = m > wm[w]
                wm[w] = jnp.where(take, m, wm[w])
                wi[w] = jnp.where(take, i, wi[w])
    m = _bf16_round(wm[0])
    i = wi[0]
    for w in (1, 2):
        take = wm[w] > m
        m = jnp.where(take, _bf16_round(wm[w]), m)
        i = jnp.where(take, wi[w], i)
    idx_ref[...] = i


def _argmax_sim(ez, et):
    m = ez.shape[0]
    return pl.pallas_call(
        _vq_block,
        grid=(m // _MBLK,),
        in_specs=[
            pl.BlockSpec((_MBLK, _D), lambda i: (i, 0)),
            pl.BlockSpec((_D, _NE), lambda i: (0, 0)),
        ],
        out_specs=pl.BlockSpec((_MBLK, 1), lambda i: (i, 0)),
        out_shape=jax.ShapeDtypeStruct((m, 1), jnp.int32),
        compiler_params=pltpu.CompilerParams(
            dimension_semantics=("arbitrary",)),
    )(ez, et)


def _sc_gather(table, idx):
    (b,) = idx.shape
    v, d = table.shape
    info = plsc.get_sparse_core_info()
    nw = info.num_cores * info.num_subcores
    b_per_w = b // nw
    n_ch = b_per_w // _GATHER_CHUNK
    mesh = plsc.VectorSubcoreMesh(core_axis_name="c", subcore_axis_name="s")

    @functools.partial(
        pl.kernel, mesh=mesh,
        out_type=jax.ShapeDtypeStruct((b, d), jnp.float32),
        scratch_types=[
            pltpu.VMEM((_GATHER_CHUNK,), jnp.int32),
            pltpu.VMEM((_GATHER_CHUNK, d), jnp.float32),
            pltpu.SemaphoreType.DMA,
        ],
    )
    def k(table_hbm, idx_hbm, out_hbm, idx_v, rows_v, sem):
        wid = lax.axis_index("s") * info.num_cores + lax.axis_index("c")
        base = wid * b_per_w

        def body(c, carry):
            off = base + c * _GATHER_CHUNK
            pltpu.sync_copy(idx_hbm.at[pl.ds(off, _GATHER_CHUNK)], idx_v)
            pltpu.async_copy(table_hbm.at[idx_v], rows_v, sem).wait()
            pltpu.sync_copy(rows_v, out_hbm.at[pl.ds(off, _GATHER_CHUNK)])
            return carry

        lax.fori_loop(0, n_ch, body, 0)

    return k(table, idx)


def kernel(z, embedding):
    b, d, h, w = z.shape
    flat_z = jnp.transpose(z, (0, 2, 3, 1)).reshape(b * h * w, d)
    ez = _l2n(flat_z)
    et = _l2n(embedding).T
    idx = _argmax_sim(ez, et).reshape(b * h * w)
    zq_flat = _sc_gather(embedding, idx)
    z_q = jnp.transpose(zq_flat.reshape(b, h, w, d), (0, 3, 1, 2))
    z_q_st = z + jax.lax.stop_gradient(z_q - z)
    return (z_q_st, idx.reshape(b, h, w), z_q)

# --- scband reference (transcript-rebuilt; emitter-appended) ---
"""Pipeline reference for scband-vector-quantizer-ema-52544629899295 (READ-ONLY COPY).

The authoritative reference and input builder live on the scoring server;
editing this copy changes nothing except your own understanding.
"""

import jax, jax.numpy as jnp
import numpy as np

NUM_EMBEDDINGS = 8192
EMBEDDING_DIM = 256

def _l2_normalize(x, axis=-1, eps=1e-12):
    n = jnp.linalg.norm(x, axis=axis, keepdims=True)
    return x / jnp.clip(n, eps)

def setup_inputs(seed: int = 0) -> dict:
    key = jax.random.key(seed)
    k1, k2 = jax.random.split(key)
    z = jax.random.normal(k1, (16, EMBEDDING_DIM, 32, 32), dtype=jnp.float32)
    embedding = jax.random.normal(k2, (NUM_EMBEDDINGS, EMBEDDING_DIM), dtype=jnp.float32)
    embedding = _l2_normalize(embedding, axis=-1)
    return {"z": z, "embedding": embedding}

def reference(z, embedding):
    b, d, h, w = z.shape
    flat_z = jnp.transpose(z, (0, 2, 3, 1)).reshape(b * h * w, d)
    ez = _l2_normalize(flat_z, axis=-1)
    e = _l2_normalize(embedding, axis=-1)
    sim = ez @ e.T
    idx = jnp.argmax(sim, axis=-1)
    z_q = jnp.take(embedding, idx, axis=0).reshape(b, h, w, d)
    z_q = jnp.transpose(z_q, (0, 3, 1, 2))
    z_q_st = z + jax.lax.stop_gradient(z_q - z)
    return (z_q_st, idx.reshape(b, h, w), z_q)

if __name__ == "__main__":
    import jax
    _d = setup_inputs()
    print(jax.jit(kernel)(*tuple(_d.values())))

</pallas_src>

<mosaic_0001>
#map = affine_map<(d0, d1) -> (0, 0)>
#map1 = affine_map<(d0, d1) -> (0)>
module attributes {stable_mosaic.version = 14 : i64} {
  func.func @k(%arg0: i32, %arg1: i32, %arg2: memref<8192x256xf32, #tpu.memory_space<hbm>>, %arg3: memref<16384xi32, #tpu.memory_space<hbm>>, %arg4: memref<16384x256xf32, #tpu.memory_space<hbm>>, %arg5: memref<128xi32, #tpu.memory_space<vmem>>, %arg6: memref<128x256xf32, #tpu.memory_space<vmem>>, %arg7: memref<!tpu.dma_semaphore, #tpu.memory_space<semaphore_mem>>) attributes {dimension_semantics = [#tpu.dimension_semantics<core_parallel>, #tpu.dimension_semantics<subcore_parallel>], iteration_bounds = array<i64: 2, 16>, scalar_prefetch = 0 : i64, scratch_operands = 3 : i64, tpu.core_type = #tpu.core_type<sc_vector_subcore>, window_params = [{transform_indices = #map}, {transform_indices = #map1}, {transform_indices = #map}]} {
    %mul3A = arith.constant 2 : i32
    %mul3A_0 = arith.muli %arg1, %mul3A : i32
    %add3A = arith.addi %mul3A_0, %arg0 : i32
    %mul3A_1 = arith.constant 512 : i32
    %mul3A_2 = arith.muli %add3A, %mul3A_1 : i32
    %scan3A = arith.constant 0 : i32
    %scan3A_3 = arith.constant 0 : i32
    %scan3A_4 = arith.constant 4 : i32
    %scan3A_5 = arith.addi %scan3A_3, %scan3A_4 : i32
    %scan3A_6 = arith.constant 1 : i32
    scf.for %scan3A_8 = %scan3A_3 to %scan3A_5 step %scan3A_6  : i32 {
      %mul3A_9 = arith.constant 128 : i32
      %mul3A_10 = arith.muli %scan3A_8, %mul3A_9 : i32
      %add3A_11 = arith.addi %mul3A_2, %mul3A_10 : i32
      "tpu.region"() ({
        %run_scoped3A = tpu.sem_alloc : memref<!tpu.dma_semaphore, #tpu.memory_space<semaphore_mem>>
        %dma_start3A_16 = tpu.memref_slice %arg3[%add3A_11] : memref<16384xi32, #tpu.memory_space<hbm>> -> memref<128xi32, #tpu.memory_space<hbm>>
        %dma_start3A_17 = tpu.memref_slice %arg3[%add3A_11] : memref<16384xi32, #tpu.memory_space<hbm>> -> memref<128xi32, #tpu.memory_space<hbm>>
        tpu.enqueue_dma source(%dma_start3A_17 : memref<128xi32, #tpu.memory_space<hbm>>) target(%arg5 : memref<128xi32, #tpu.memory_space<vmem>>) target_semaphore(%run_scoped3A : memref<!tpu.dma_semaphore, #tpu.memory_space<semaphore_mem>>)
        %dma_wait3A_18 = tpu.memref_slice %arg3[%add3A_11] : memref<16384xi32, #tpu.memory_space<hbm>> -> memref<128xi32, #tpu.memory_space<hbm>>
        %dma_wait3A_19 = tpu.memref_slice %arg3[%add3A_11] : memref<16384xi32, #tpu.memory_space<hbm>> -> memref<128xi32, #tpu.memory_space<hbm>>
        tpu.wait_dma2 semaphore(%run_scoped3A : memref<!tpu.dma_semaphore, #tpu.memory_space<semaphore_mem>>) src(%dma_wait3A_19 : memref<128xi32, #tpu.memory_space<hbm>>) dst(%arg5 : memref<128xi32, #tpu.memory_space<vmem>>)
        tpu.yield
      }) : () -> ()
      %dma_start3A = arith.constant 0 : i32
      %dma_start3A_12 = arith.constant 0 : i32
      %dma_start3A_13 = tpu.memref_slice %arg2[%dma_start3A, %dma_start3A_12] : memref<8192x256xf32, #tpu.memory_space<hbm>> -> memref<8192x256xf32, #tpu.memory_space<hbm>>
      tpu.enqueue_indirect_dma source(%dma_start3A_13 : memref<8192x256xf32, #tpu.memory_space<hbm>>) target(%arg6 : memref<128x256xf32, #tpu.memory_space<vmem>>) offsets(%arg5 : memref<128xi32, #tpu.memory_space<vmem>>) semaphore(%arg7 : memref<!tpu.dma_semaphore, #tpu.memory_space<semaphore_mem>>)
      %dma_wait3A = arith.constant 0 : i32
      %dma_wait3A_14 = arith.constant 0 : i32
      %dma_wait3A_15 = tpu.memref_slice %arg2[%dma_wait3A, %dma_wait3A_14] : memref<8192x256xf32, #tpu.memory_space<hbm>> -> memref<8192x256xf32, #tpu.memory_space<hbm>>
      tpu.wait_indirect_dma semaphore(%arg7 : memref<!tpu.dma_semaphore, #tpu.memory_space<semaphore_mem>>) src(%dma_wait3A_15 : memref<8192x256xf32, #tpu.memory_space<hbm>>) dst(%arg6 : memref<128x256xf32, #tpu.memory_space<vmem>>)
      "tpu.region"() ({
        %run_scoped3A = tpu.sem_alloc : memref<!tpu.dma_semaphore, #tpu.memory_space<semaphore_mem>>
        %dma_start3A_16 = arith.constant 0 : i32
        %dma_start3A_17 = tpu.memref_slice %arg4[%add3A_11, %dma_start3A_16] : memref<16384x256xf32, #tpu.memory_space<hbm>> -> memref<128x256xf32, #tpu.memory_space<hbm>>
        %dma_start3A_18 = arith.constant 0 : i32
        %dma_start3A_19 = tpu.memref_slice %arg4[%add3A_11, %dma_start3A_18] : memref<16384x256xf32, #tpu.memory_space<hbm>> -> memref<128x256xf32, #tpu.memory_space<hbm>>
        tpu.enqueue_dma source(%arg6 : memref<128x256xf32, #tpu.memory_space<vmem>>) target(%dma_start3A_19 : memref<128x256xf32, #tpu.memory_space<hbm>>) target_semaphore(%run_scoped3A : memref<!tpu.dma_semaphore, #tpu.memory_space<semaphore_mem>>)
        %dma_wait3A_20 = arith.constant 0 : i32
        %dma_wait3A_21 = tpu.memref_slice %arg4[%add3A_11, %dma_wait3A_20] : memref<16384x256xf32, #tpu.memory_space<hbm>> -> memref<128x256xf32, #tpu.memory_space<hbm>>
        %dma_wait3A_22 = arith.constant 0 : i32
        %dma_wait3A_23 = tpu.memref_slice %arg4[%add3A_11, %dma_wait3A_22] : memref<16384x256xf32, #tpu.memory_space<hbm>> -> memref<128x256xf32, #tpu.memory_space<hbm>>
        tpu.wait_dma2 semaphore(%run_scoped3A : memref<!tpu.dma_semaphore, #tpu.memory_space<semaphore_mem>>) src(%arg6 : memref<128x256xf32, #tpu.memory_space<vmem>>) dst(%dma_wait3A_23 : memref<128x256xf32, #tpu.memory_space<hbm>>)
        tpu.yield
      }) : () -> ()
    }
    %scan3A_7 = arith.constant 4 : i32
    return
  }
}

module attributes {stable_mosaic.version = 14 : i64} {
  func.func @_vq_block(%arg0: i32, %arg1: memref<512x256xf32, #tpu.memory_space<vmem>>, %arg2: memref<256x8192xf32, #tpu.memory_space<vmem>>, %arg3: memref<512x1xi32, #tpu.memory_space<vmem>>) attributes {dimension_semantics = [#tpu.dimension_semantics<arbitrary>], iteration_bounds = array<i64: 32>, scalar_prefetch = 0 : i64, scratch_operands = 0 : i64, tpu.core_type = #tpu.core_type<tc>, window_params = [{transform_indices = @transform_0, window_bounds = array<i64: 512, 256>}, {pipeline_mode = #tpu.pipeline_mode<synchronous>, transform_indices = @transform_1, window_bounds = array<i64: 256, 8192>}, {transform_indices = @transform_2, window_bounds = array<i64: 512, 1>}]} {
    %get3A = arith.constant 0 : index
    %get3A_0 = arith.constant 0 : index
    %get3A_1 = vector.load %arg1[%get3A, %get3A_0] : memref<512x256xf32, #tpu.memory_space<vmem>>, vector<512x256xf32>
    %get3A_2 = arith.constant 0 : index
    %get3A_3 = arith.constant 0 : index
    %get3A_4 = vector.load %arg2[%get3A_2, %get3A_3] : memref<256x8192xf32, #tpu.memory_space<vmem>>, vector<256x2048xf32>
    %dot_general3A = arith.constant dense<0.000000e+00> : vector<512x2048xf32>
    %dot_general3A_5 = tpu.matmul %get3A_1, %get3A_4, %dot_general3A {dimension_numbers = #tpu.dot_dimension_numbers<[1], [0], [0], [1], [0, 0, 1, 1], [], []>, transpose_lhs_hint = false} : vector<512x256xf32>, vector<256x2048xf32>, vector<512x2048xf32> -> vector<512x2048xf32>
    %iota3A = tpu.iota {dimensions = array<i32: 1>} : vector<512x2048xi32>
    %add3A = arith.constant 0 : i32
    %add3A_6 = vector.broadcast %add3A : i32 to vector<512x2048xi32>
    %add3A_7 = arith.addi %iota3A, %add3A_6 : vector<512x2048xi32>
    %reduce_max3A = arith.constant dense<0xFF800000> : vector<512xf32>
    %reduce_max3A_8 = vector.multi_reduction <maximumf>, %dot_general3A_5, %reduce_max3A [1] : vector<512x2048xf32> to vector<512xf32>
    %broadcast_in_dim3A = vector.shape_cast %reduce_max3A_8 : vector<512xf32> to vector<512x1xf32>
    %eq3A = vector.broadcast %broadcast_in_dim3A : vector<512x1xf32> to vector<512x2048xf32>
    %eq3A_9 = arith.cmpf oeq, %dot_general3A_5, %eq3A : vector<512x2048xf32>
    %jit3A = arith.constant 2147483647 : i32
    %broadcast_in_dim3A_10 = vector.broadcast %jit3A : i32 to vector<512x2048xi32>
    %select_n3A = arith.select %eq3A_9, %add3A_7, %broadcast_in_dim3A_10 : vector<512x2048xi1>, vector<512x2048xi32>
    %reduce_min3A = arith.constant dense<2147483647> : vector<512xi32>
    %reduce_min3A_11 = vector.multi_reduction <minsi>, %select_n3A, %reduce_min3A [1] : vector<512x2048xi32> to vector<512xi32>
    %broadcast_in_dim3A_12 = vector.shape_cast %reduce_min3A_11 : vector<512xi32> to vector<512x1xi32>
    %get3A_13 = arith.constant 0 : index
    %get3A_14 = arith.constant 2048 : index
    %get3A_15 = vector.load %arg2[%get3A_13, %get3A_14] : memref<256x8192xf32, #tpu.memory_space<vmem>>, vector<256x2048xf32>
    %dot_general3A_16 = arith.constant dense<0.000000e+00> : vector<512x2048xf32>
    %dot_general3A_17 = tpu.matmul %get3A_1, %get3A_15, %dot_general3A_16 {dimension_numbers = #tpu.dot_dimension_numbers<[1], [0], [0], [1], [0, 0, 1, 1], [], []>, transpose_lhs_hint = false} : vector<512x256xf32>, vector<256x2048xf32>, vector<512x2048xf32> -> vector<512x2048xf32>
    %iota3A_18 = tpu.iota {dimensions = array<i32: 1>} : vector<512x2048xi32>
    %add3A_19 = arith.constant 2048 : i32
    %add3A_20 = vector.broadcast %add3A_19 : i32 to vector<512x2048xi32>
    %add3A_21 = arith.addi %iota3A_18, %add3A_20 : vector<512x2048xi32>
    %ge3A = arith.constant 0 : i32
    %ge3A_22 = vector.broadcast %ge3A : i32 to vector<512x2048xi32>
    %ge3A_23 = arith.cmpi sge, %add3A_21, %ge3A_22 : vector<512x2048xi32>
    %lt3A = arith.constant 2736 : i32
    %lt3A_24 = vector.broadcast %lt3A : i32 to vector<512x2048xi32>
    %lt3A_25 = arith.cmpi slt, %add3A_21, %lt3A_24 : vector<512x2048xi32>
    %and3A = arith.andi %ge3A_23, %lt3A_25 : vector<512x2048xi1>
    %jit3A_26 = arith.constant 0xFF800000 : f32
    %broadcast_in_dim3A_27 = vector.broadcast %jit3A_26 : f32 to vector<512x2048xf32>
    %select_n3A_28 = arith.select %and3A, %dot_general3A_17, %broadcast_in_dim3A_27 : vector<512x2048xi1>, vector<512x2048xf32>
    %reduce_max3A_29 = arith.constant dense<0xFF800000> : vector<512xf32>
    %reduce_max3A_30 = vector.multi_reduction <maximumf>, %select_n3A_28, %reduce_max3A_29 [1] : vector<512x2048xf32> to vector<512xf32>
    %broadcast_in_dim3A_31 = vector.shape_cast %reduce_max3A_30 : vector<512xf32> to vector<512x1xf32>
    %eq3A_32 = vector.broadcast %broadcast_in_dim3A_31 : vector<512x1xf32> to vector<512x2048xf32>
    %eq3A_33 = arith.cmpf oeq, %select_n3A_28, %eq3A_32 : vector<512x2048xf32>
    %jit3A_34 = arith.constant 2147483647 : i32
    %broadcast_in_dim3A_35 = vector.broadcast %jit3A_34 : i32 to vector<512x2048xi32>
    %select_n3A_36 = arith.select %eq3A_33, %add3A_21, %broadcast_in_dim3A_35 : vector<512x2048xi1>, vector<512x2048xi32>
    %reduce_min3A_37 = arith.constant dense<2147483647> : vector<512xi32>
    %reduce_min3A_38 = vector.multi_reduction <minsi>, %select_n3A_36, %reduce_min3A_37 [1] : vector<512x2048xi32> to vector<512xi32>
    %broadcast_in_dim3A_39 = vector.shape_cast %reduce_min3A_38 : vector<512xi32> to vector<512x1xi32>
    %gt3A = arith.cmpf ogt, %broadcast_in_dim3A_31, %broadcast_in_dim3A : vector<512x1xf32>
    %select_n3A_40 = arith.select %gt3A, %broadcast_in_dim3A_31, %broadcast_in_dim3A : vector<512x1xi1>, vector<512x1xf32>
    %select_n3A_41 = arith.select %gt3A, %broadcast_in_dim3A_39, %broadcast_in_dim3A_12 : vector<512x1xi1>, vector<512x1xi32>
    %ge3A_42 = arith.constant 2736 : i32
    %ge3A_43 = vector.broadcast %ge3A_42 : i32 to vector<512x2048xi32>
    %ge3A_44 = arith.cmpi sge, %add3A_21, %ge3A_43 : vector<512x2048xi32>
    %lt3A_45 = arith.constant 5472 : i32
    %lt3A_46 = vector.broadcast %lt3A_45 : i32 to vector<512x2048xi32>
    %lt3A_47 = arith.cmpi slt, %add3A_21, %lt3A_46 : vector<512x2048xi32>
    %and3A_48 = arith.andi %ge3A_44, %lt3A_47 : vector<512x2048xi1>
    %jit3A_49 = arith.constant 0xFF800000 : f32
    %broadcast_in_dim3A_50 = vector.broadcast %jit3A_49 : f32 to vector<512x2048xf32>
    %select_n3A_51 = arith.select %and3A_48, %dot_general3A_17, %broadcast_in_dim3A_50 : vector<512x2048xi1>, vector<512x2048xf32>
    %reduce_max3A_52 = arith.constant dense<0xFF800000> : vector<512xf32>
    %reduce_max3A_53 = vector.multi_reduction <maximumf>, %select_n3A_51, %reduce_max3A_52 [1] : vector<512x2048xf32> to vector<512xf32>
    %broadcast_in_dim3A_54 = vector.shape_cast %reduce_max3A_53 : vector<512xf32> to vector<512x1xf32>
    %eq3A_55 = vector.broadcast %broadcast_in_dim3A_54 : vector<512x1xf32> to vector<512x2048xf32>
    %eq3A_56 = arith.cmpf oeq, %select_n3A_51, %eq3A_55 : vector<512x2048xf32>
    %jit3A_57 = arith.constant 2147483647 : i32
    %broadcast_in_dim3A_58 = vector.broadcast %jit3A_57 : i32 to vector<512x2048xi32>
    %select_n3A_59 = arith.select %eq3A_56, %add3A_21, %broadcast_in_dim3A_58 : vector<512x2048xi1>, vector<512x2048xi32>
    %reduce_min3A_60 = arith.constant dense<2147483647> : vector<512xi32>
    %reduce_min3A_61 = vector.multi_reduction <minsi>, %select_n3A_59, %reduce_min3A_60 [1] : vector<512x2048xi32> to vector<512xi32>
    %broadcast_in_dim3A_62 = vector.shape_cast %reduce_min3A_61 : vector<512xi32> to vector<512x1xi32>
    %get3A_63 = arith.constant 0 : index
    %get3A_64 = arith.constant 4096 : index
    %get3A_65 = vector.load %arg2[%get3A_63, %get3A_64] : memref<256x8192xf32, #tpu.memory_space<vmem>>, vector<256x2048xf32>
    %dot_general3A_66 = arith.constant dense<0.000000e+00> : vector<512x2048xf32>
    %dot_general3A_67 = tpu.matmul %get3A_1, %get3A_65, %dot_general3A_66 {dimension_numbers = #tpu.dot_dimension_numbers<[1], [0], [0], [1], [0, 0, 1, 1], [], []>, transpose_lhs_hint = false} : vector<512x256xf32>, vector<256x2048xf32>, vector<512x2048xf32> -> vector<512x2048xf32>
    %iota3A_68 = tpu.iota {dimensions = array<i32: 1>} : vector<512x2048xi32>
    %add3A_69 = arith.constant 4096 : i32
    %add3A_70 = vector.broadcast %add3A_69 : i32 to vector<512x2048xi32>
    %add3A_71 = arith.addi %iota3A_68, %add3A_70 : vector<512x2048xi32>
    %ge3A_72 = arith.constant 2736 : i32
    %ge3A_73 = vector.broadcast %ge3A_72 : i32 to vector<512x2048xi32>
    %ge3A_74 = arith.cmpi sge, %add3A_71, %ge3A_73 : vector<512x2048xi32>
    %lt3A_75 = arith.constant 5472 : i32
    %lt3A_76 = vector.broadcast %lt3A_75 : i32 to vector<512x2048xi32>
    %lt3A_77 = arith.cmpi slt, %add3A_71, %lt3A_76 : vector<512x2048xi32>
    %and3A_78 = arith.andi %ge3A_74, %lt3A_77 : vector<512x2048xi1>
    %jit3A_79 = arith.constant 0xFF800000 : f32
    %broadcast_in_dim3A_80 = vector.broadcast %jit3A_79 : f32 to vector<512x2048xf32>
    %select_n3A_81 = arith.select %and3A_78, %dot_general3A_67, %broadcast_in_dim3A_80 : vector<512x2048xi1>, vector<512x2048xf32>
    %reduce_max3A_82 = arith.constant dense<0xFF800000> : vector<512xf32>
    %reduce_max3A_83 = vector.multi_reduction <maximumf>, %select_n3A_81, %reduce_max3A_82 [1] : vector<512x2048xf32> to vector<512xf32>
    %broadcast_in_dim3A_84 = vector.shape_cast %reduce_max3A_83 : vector<512xf32> to vector<512x1xf32>
    %eq3A_85 = vector.broadcast %broadcast_in_dim3A_84 : vector<512x1xf32> to vector<512x2048xf32>
    %eq3A_86 = arith.cmpf oeq, %select_n3A_81, %eq3A_85 : vector<512x2048xf32>
    %jit3A_87 = arith.constant 2147483647 : i32
    %broadcast_in_dim3A_88 = vector.broadcast %jit3A_87 : i32 to vector<512x2048xi32>
    %select_n3A_89 = arith.select %eq3A_86, %add3A_71, %broadcast_in_dim3A_88 : vector<512x2048xi1>, vector<512x2048xi32>
    %reduce_min3A_90 = arith.constant dense<2147483647> : vector<512xi32>
    %reduce_min3A_91 = vector.multi_reduction <minsi>, %select_n3A_89, %reduce_min3A_90 [1] : vector<512x2048xi32> to vector<512xi32>
    %broadcast_in_dim3A_92 = vector.shape_cast %reduce_min3A_91 : vector<512xi32> to vector<512x1xi32>
    %gt3A_93 = arith.cmpf ogt, %broadcast_in_dim3A_84, %broadcast_in_dim3A_54 : vector<512x1xf32>
    %select_n3A_94 = arith.select %gt3A_93, %broadcast_in_dim3A_84, %broadcast_in_dim3A_54 : vector<512x1xi1>, vector<512x1xf32>
    %select_n3A_95 = arith.select %gt3A_93, %broadcast_in_dim3A_92, %broadcast_in_dim3A_62 : vector<512x1xi1>, vector<512x1xi32>
    %ge3A_96 = arith.constant 5472 : i32
    %ge3A_97 = vector.broadcast %ge3A_96 : i32 to vector<512x2048xi32>
    %ge3A_98 = arith.cmpi sge, %add3A_71, %ge3A_97 : vector<512x2048xi32>
    %lt3A_99 = arith.constant 8192 : i32
    %lt3A_100 = vector.broadcast %lt3A_99 : i32 to vector<512x2048xi32>
    %lt3A_101 = arith.cmpi slt, %add3A_71, %lt3A_100 : vector<512x2048xi32>
    %and3A_102 = arith.andi %ge3A_98, %lt3A_101 : vector<512x2048xi1>
    %jit3A_103 = arith.constant 0xFF800000 : f32
    %broadcast_in_dim3A_104 = vector.broadcast %jit3A_103 : f32 to vector<512x2048xf32>
    %select_n3A_105 = arith.select %and3A_102, %dot_general3A_67, %broadcast_in_dim3A_104 : vector<512x2048xi1>, vector<512x2048xf32>
    %reduce_max3A_106 = arith.constant dense<0xFF800000> : vector<512xf32>
    %reduce_max3A_107 = vector.multi_reduction <maximumf>, %select_n3A_105, %reduce_max3A_106 [1] : vector<512x2048xf32> to vector<512xf32>
    %broadcast_in_dim3A_108 = vector.shape_cast %reduce_max3A_107 : vector<512xf32> to vector<512x1xf32>
    %eq3A_109 = vector.broadcast %broadcast_in_dim3A_108 : vector<512x1xf32> to vector<512x2048xf32>
    %eq3A_110 = arith.cmpf oeq, %select_n3A_105, %eq3A_109 : vector<512x2048xf32>
    %jit3A_111 = arith.constant 2147483647 : i32
    %broadcast_in_dim3A_112 = vector.broadcast %jit3A_111 : i32 to vector<512x2048xi32>
    %select_n3A_113 = arith.select %eq3A_110, %add3A_71, %broadcast_in_dim3A_112 : vector<512x2048xi1>, vector<512x2048xi32>
    %reduce_min3A_114 = arith.constant dense<2147483647> : vector<512xi32>
    %reduce_min3A_115 = vector.multi_reduction <minsi>, %select_n3A_113, %reduce_min3A_114 [1] : vector<512x2048xi32> to vector<512xi32>
    %broadcast_in_dim3A_116 = vector.shape_cast %reduce_min3A_115 : vector<512xi32> to vector<512x1xi32>
    %get3A_117 = arith.constant 0 : index
    %get3A_118 = arith.constant 6144 : index
    %get3A_119 = vector.load %arg2[%get3A_117, %get3A_118] : memref<256x8192xf32, #tpu.memory_space<vmem>>, vector<256x2048xf32>
    %dot_general3A_120 = arith.constant dense<0.000000e+00> : vector<512x2048xf32>
    %dot_general3A_121 = tpu.matmul %get3A_1, %get3A_119, %dot_general3A_120 {dimension_numbers = #tpu.dot_dimension_numbers<[1], [0], [0], [1], [0, 0, 1, 1], [], []>, transpose_lhs_hint = false} : vector<512x256xf32>, vector<256x2048xf32>, vector<512x2048xf32> -> vector<512x2048xf32>
    %iota3A_122 = tpu.iota {dimensions = array<i32: 1>} : vector<512x2048xi32>
    %add3A_123 = arith.constant 6144 : i32
    %add3A_124 = vector.broadcast %add3A_123 : i32 to vector<512x2048xi32>
    %add3A_125 = arith.addi %iota3A_122, %add3A_124 : vector<512x2048xi32>
    %reduce_max3A_126 = arith.constant dense<0xFF800000> : vector<512xf32>
    %reduce_max3A_127 = vector.multi_reduction <maximumf>, %dot_general3A_121, %reduce_max3A_126 [1] : vector<512x2048xf32> to vector<512xf32>
    %broadcast_in_dim3A_128 = vector.shape_cast %reduce_max3A_127 : vector<512xf32> to vector<512x1xf32>
    %eq3A_129 = vector.broadcast %broadcast_in_dim3A_128 : vector<512x1xf32> to vector<512x2048xf32>
    %eq3A_130 = arith.cmpf oeq, %dot_general3A_121, %eq3A_129 : vector<512x2048xf32>
    %jit3A_131 = arith.constant 2147483647 : i32
    %broadcast_in_dim3A_132 = vector.broadcast %jit3A_131 : i32 to vector<512x2048xi32>
    %select_n3A_133 = arith.select %eq3A_130, %add3A_125, %broadcast_in_dim3A_132 : vector<512x2048xi1>, vector<512x2048xi32>
    %reduce_min3A_134 = arith.constant dense<2147483647> : vector<512xi32>
    %reduce_min3A_135 = vector.multi_reduction <minsi>, %select_n3A_133, %reduce_min3A_134 [1] : vector<512x2048xi32> to vector<512xi32>
    %broadcast_in_dim3A_136 = vector.shape_cast %reduce_min3A_135 : vector<512xi32> to vector<512x1xi32>
    %gt3A_137 = arith.cmpf ogt, %broadcast_in_dim3A_128, %broadcast_in_dim3A_108 : vector<512x1xf32>
    %select_n3A_138 = arith.select %gt3A_137, %broadcast_in_dim3A_128, %broadcast_in_dim3A_108 : vector<512x1xi1>, vector<512x1xf32>
    %select_n3A_139 = arith.select %gt3A_137, %broadcast_in_dim3A_136, %broadcast_in_dim3A_116 : vector<512x1xi1>, vector<512x1xi32>
    %convert_element_type3A = arith.truncf %select_n3A_40 : vector<512x1xf32> to vector<512x1xbf16>
    %convert_element_type3A_140 = arith.extf %convert_element_type3A : vector<512x1xbf16> to vector<512x1xf32>
    %gt3A_141 = arith.cmpf ogt, %select_n3A_94, %convert_element_type3A_140 : vector<512x1xf32>
    %convert_element_type3A_142 = arith.truncf %select_n3A_94 : vector<512x1xf32> to vector<512x1xbf16>
    %convert_element_type3A_143 = arith.extf %convert_element_type3A_142 : vector<512x1xbf16> to vector<512x1xf32>
    %select_n3A_144 = arith.select %gt3A_141, %convert_element_type3A_143, %convert_element_type3A_140 : vector<512x1xi1>, vector<512x1xf32>
    %select_n3A_145 = arith.select %gt3A_141, %select_n3A_95, %select_n3A_41 : vector<512x1xi1>, vector<512x1xi32>
    %gt3A_146 = arith.cmpf ogt, %select_n3A_138, %select_n3A_144 : vector<512x1xf32>
    %select_n3A_147 = arith.select %gt3A_146, %select_n3A_139, %select_n3A_145 : vector<512x1xi1>, vector<512x1xi32>
    %swap3A = arith.constant 0 : index
    %swap3A_148 = arith.constant 0 : index
    %swap3A_149 = vector.load %arg3[%swap3A, %swap3A_148] : memref<512x1xi32, #tpu.memory_space<vmem>>, vector<512x1xi32>
    tpu.vector_store %arg3[%swap3A, %swap3A_148], %select_n3A_147 {strides = array<i32>} : memref<512x1xi32, #tpu.memory_space<vmem>>, vector<512x1xi32>,
    return
  }
  func.func @transform_0(%arg0: i32) -> (i32, i32) {
    %c0_i32 = arith.constant 0 : i32
    %c0_i32_0 = arith.constant 0 : i32
    return %arg0, %c0_i32 : i32, i32
  }
  func.func @transform_1(%arg0: i32) -> (i32, i32) {
    %c0_i32 = arith.constant 0 : i32
    %c0_i32_0 = arith.constant 0 : i32
    %c0_i32_1 = arith.constant 0 : i32
    return %c0_i32, %c0_i32_0 : i32, i32
  }
  func.func @transform_2(%arg0: i32) -> (i32, i32) {
    %c0_i32 = arith.constant 0 : i32
    %c0_i32_0 = arith.constant 0 : i32
    return %arg0, %c0_i32 : i32, i32
  }
}

</mosaic_0001>

<sc_bundles>
// kernel: kernel.4.cloned.1.call-start
scs
__scs_entry_jumppad:
0x0: {  	(pc) =	sbr.rel $0x88, $3  }
0x1: {  	(tag) =	ssettag $0x0;
	lr =	simm.s32 $0x1  }
0x2: {  	[smem:$0x3F9F] =	sst lr;
	_ =	strace $0xD0000000  }
0x3: {  	_ = 	snop  }
0x4: {  	_ = 	snop  }
0x5: {  	_ = 	snop  }
0x6: {  	_ = 	snop  }
0x7: {  	_ = 	snop  }
__scs_overlays_trampoline_lowered:
0x8: {  	[smem:$0x3FAE] =	sst s0  }
0x9: {  	[smem:$0x3FAF] =	sst s1  }
0xa: {  	[smem:$0x3FB0] =	sst s2  }
0xb: {  	[smem:$0x3FB1] =	sst s3  }
0xc: {  	[smem:$0x3FB2] =	sst s4  }
0xd: {  	[smem:$0x3FB3] =	sst s5  }
0xe: {  	[smem:$0x3FB4] =	sst s6  }
0xf: {  	[smem:$0x3FB5] =	sst s7  }
0x10: {  	[smem:$0x3FB6] =	sst s8  }
0x11: {  	[smem:$0x3FB7] =	sst s9;
	s0 =	simm.s32 @!p0 $0x0  }
0x12: {  	s1 =	sld [smem:$0x3F9D];
	s0 =	simm.s32 @p0 $0x1  }
0x13: {  	[smem:$0x3FB8] =	sst s0;
	s0 =	simm.s32 @!p1 $0x0  }
0x14: {  	s2 =	sld [smem:$0x3F9C];
	s0 =	simm.s32 @p1 $0x1  }
0x15: {  	[smem:$0x3FB9] =	sst s0;
	s0 =	simm.s32 @!p2 $0x0  }
0x16: {  	s3 =	sld [smem:$0x3FDB];
	s0 =	simm.s32 @p2 $0x1  }
0x17: {  	s4 =	simm.s32 $0x1BF5;
	[smem:$0x3FBB] =	sst s0  }
0x18: {  	s0 =	sld [smem:$0x3F9E];
	_ =	swait.ge [sflag:s4], $0x0  }
0x19: {  	s7 =	sld [smem:$0x3F9F]  }
0x1a: {  	s8 =	sadd.s32 $0xFFFFE003, lr  }
0x1b: {  	s9 =	sadd.s32 $0xFFFFFEF7, lr;
	s5 =	simm.s32 $0xFFFFFFFF;
	p2 =	slt.u32 s8, $0xFFFFF086  }
0x1c: {  	p1 =	slt.u32 s9, $0xF7A;
	s5 =	simm.s32 @!p2 $0x0  }
0x1d: {  	s5 =	simm.s32 @p1 $0x1;
	p0 =	seq.s32 s7, s2  }
0x1e: {  	s7 =	smul.u32 @!p0 $0xF7A, s2;
	p2 =	seq.s32 @!p0 s5, $0x0  }
0x1f: {  	s9 =	smul.u32 $0xF7A, s1;
	s8 =	simm.s32 @!p0 $0x1BF5;
	p2 =	por !p2, p0  }
0x20: {  	[sflag:s8] =	ssyncset.s32 @!p0 $0xFFFFF086;
	s6 =	sadd.s32 @!p0 s3, s7;
	s7 =	simm.s32 @!p0 $0x108  }
0x21: {  	s3 =	sadd.s32 s3, s9;
	s6 =	sadd.s32 @!p0 $0x88, s6;
	s7 =	simm.s32 @p2 $0x1082  }
0x22: {  	[simem:s7], [sflag:s8] =	dma.local @!p0 [hbm:s6], $0xF7A  }
0x23: {  	s9 =	sor.u32 $0xD0000000, s2;
	s6 =	simm.s32 $0x108;
	_ =	swait.ge @!p0 [sflag:s8], $0x0  }
0x24: {  	s3 =	sadd.s32 $0x88, s3;
	s6 =	simm.s32 @!p1 $0x1082;
	[sflag:s4] =	ssyncset.s32 $0xFFFFF086  }
0x25: {  	[simem:s6], [sflag:s4] =	dma.local [hbm:s3], $0xF7A  }
0x26: {  	[smem:$0x3F9F] =	sst s1;
	(tag) =	ssettag s2;
	_ =	strace s9  }
0x27: {  	s1 =	sld [smem:$0x3FAF]  }
0x28: {  	s2 =	sld [smem:$0x3FB0]  }
0x29: {  	s4 =	sld [smem:$0x3FB2]  }
0x2a: {  	p0 =	seq.s32 s5, $0x0;
	s5 =	sld [smem:$0x3FB3]  }
0x2b: {  	s6 =	sld [smem:$0x3FB4]  }
0x2c: {  	s7 =	sld [smem:$0x3FB5]  }
0x2d: {  	s3 =	simm.s32 $0x108;
	s8 =	sld [smem:$0x3FB6]  }
0x2e: {  	s3 =	simm.s32 @!p0 $0x1082;
	s9 =	sld [smem:$0x3FB7]  }
0x2f: {  	lr =	sadd.s32 s0, s3;
	s0 =	sld [smem:$0x3FAE]  }
0x30: {  	s3 =	sld [smem:$0x3FB1]  }
0x31: {  	[smem:$0x3FBA] =	sst s10  }
0x32: {  	s10 =	sld [smem:$0x3FB8];
	_ =	sdelay $0x3  }
0x33: {  	p0 =	seq.s32 s10, $0x1;
	s10 =	sld [smem:$0x3FBA];
	_ =	sdelay $0x3  }
0x34: {  	[smem:$0x3FBA] =	sst s10  }
0x35: {  	s10 =	sld [smem:$0x3FB9];
	_ =	sdelay $0x3  }
0x36: {  	p1 =	seq.s32 s10, $0x1;
	s10 =	sld [smem:$0x3FBA];
	_ =	sdelay $0x3  }
0x37: {  	[smem:$0x3FBA] =	sst s10  }
0x38: {  	s10 =	sld [smem:$0x3FBB]  }
0x39: {  	_ = 	snop;
	(pc) =	sbr.ind lr, $3  }
0x3a: {  	_ = 	snop  }
0x3b: {  	_ = 	snop  }
0x3c: {  	p2 =	seq.s32 s10, $0x1;
	s10 =	sld [smem:$0x3FBA]  }
0x3d: {  	_ =	shalt  }
0x3e: {  	_ =	shalt  }
0x3f: {  	_ =	shalt  }
0x40: {  	_ =	shalt  }
0x41: {  	_ =	shalt  }
0x42: {  	_ =	shalt  }
0x43: {  	_ =	shalt  }
0x44: {  	_ =	shalt  }
0x45: {  	_ =	shalt  }
0x46: {  	_ =	shalt  }
0x47: {  	_ =	shalt  }
0x48: {  	_ =	shalt  }
0x49: {  	_ =	shalt  }
0x4a: {  	_ =	shalt  }
0x4b: {  	_ =	shalt  }
0x4c: {  	_ =	shalt  }
0x4d: {  	_ =	shalt  }
0x4e: {  	_ =	shalt  }
0x4f: {  	_ =	shalt  }
0x50: {  	_ =	shalt  }
0x51: {  	_ =	shalt  }
0x52: {  	_ =	shalt  }
0x53: {  	_ =	shalt  }
0x54: {  	_ =	shalt  }
0x55: {  	_ =	shalt  }
0x56: {  	_ =	shalt  }
0x57: {  	_ =	shalt  }
0x58: {  	_ =	shalt  }
0x59: {  	_ =	shalt  }
0x5a: {  	_ =	shalt  }
0x5b: {  	_ =	shalt  }
0x5c: {  	_ =	shalt  }
0x5d: {  	_ =	shalt  }
0x5e: {  	_ =	shalt  }
0x5f: {  	_ =	shalt  }
0x60: {  	_ =	shalt  }
0x61: {  	_ =	shalt  }
0x62: {  	_ =	shalt  }
0x63: {  	_ =	shalt  }
0x64: {  	_ =	shalt  }
0x65: {  	_ =	shalt  }
0x66: {  	_ =	shalt  }
0x67: {  	_ =	shalt  }
0x68: {  	_ =	shalt  }
0x69: {  	_ =	shalt  }
0x6a: {  	_ =	shalt  }
0x6b: {  	_ =	shalt  }
0x6c: {  	_ =	shalt  }
0x6d: {  	_ =	shalt  }
0x6e: {  	_ =	shalt  }
0x6f: {  	_ =	shalt  }
0x70: {  	_ =	shalt  }
0x71: {  	_ =	shalt  }
0x72: {  	_ =	shalt  }
0x73: {  	_ =	shalt  }
0x74: {  	_ =	shalt  }
0x75: {  	_ =	shalt  }
0x76: {  	_ =	shalt  }
0x77: {  	_ =	shalt  }
0x78: {  	_ =	shalt  }
0x79: {  	_ =	shalt  }
0x7a: {  	_ =	shalt  }
0x7b: {  	_ =	shalt  }
0x7c: {  	_ =	shalt  }
0x7d: {  	_ =	shalt  }
0x7e: {  	_ =	shalt  }
0x7f: {  	_ =	shalt  }
0x80: {  	_ =	shalt  }
0x81: {  	_ =	shalt  }
0x82: {  	_ =	shalt  }
0x83: {  	_ =	shalt  }
0x84: {  	_ =	shalt  }
0x85: {  	_ =	shalt  }
0x86: {  	_ =	shalt  }
0x87: {  	_ =	shalt  }
.Lfunc_end0:
.L_simem_size_0:
called_computation_lowered:
.L_overlay_start_0:
0x88: {  	s2 =	sld [smem:$0x3FD9]  }
0x89: {  	s3 =	sld [smem:$0x3FFE];
	_ =	sdelay $0x1  }
0x8a: {  	s1 =	srdreg.scid  }
0x8b: {  	s0 =	sand.u32 $0x1, s1  }
0x8c: {  	s15 =	sshll.u32 s0, $0xA;
	s2 =	sadd.s32 s3, s2  }
0x8d: {  	s2 =	sadd.s32 s2, s15  }
0x8e: {  	[smem:$0x3FC6] =	sst s2  }
0x8f: {  	_ = 	snop  }
0x90: {  	s2 =	sld [smem:$0x3FD0];
	_ =	sdelay $0x2  }
0x91: {  	s4 =	simm.s32 $0xA;
	s5 =	simm.s32 $0x10;
	s16 =	sld [smem:$0x3FC8]  }
0x92: {  	[smem:s5], [sflag:s4] =	dma.local [hbm:s2], $0x1  }
0x93: {  	_ =	swait.eq [sflag:s4], $0x1  }
0x94: {  	[sflag:s4] =	ssyncset.done $0x0  }
0x95: {  	s17 =	sld [smem:$0x10];
	[sflag:s4] =	ssyncadd.s32 $0xFFFFFFFF  }
0x96: {  	s18 =	sld [smem:$0x12];
	(tm) =	ssettm $0x1  }
0x97: {  	s19 =	sld [smem:$0x3FFB];
	_ =	sdelay $0x3  }
0x98: {  	_ =	strace s19  }
0x99: {  	s5 =	sld [smem:$0x3FFC];
	_ =	sdelay $0x3  }
0x9a: {  	_ =	strace s5  }
0x9b: {  	s5 =	sld [smem:$0x3FFD];
	_ =	sdelay $0x3  }
0x9c: {  	_ =	strace s5  }
0x9d: {  	_ =	strace $0x8FFFFFFF  }
0x9e: {  	s20 =	sld [smem:$0x3FDB];
	_ =	sdelay $0x1  }
0x9f: {  	s6 =	simm.s32 $_scs_section_size  }
0xa0: {  	s7 =	simm.s32 $_size__tile_overlayer_lowered;
	s8 =	simm.s32 $_tile_overlayer_lowered  }
0xa1: {  	s23 =	simm.s32 $0x1BFF;
	s22 =	sshll.u32 s8, $0x1;
	s5 =	sadd.s32 s6, s20  }
0xa2: {  	s9 =	simm.s32 $0x0;
	s21 =	sshll.u32 s7, $0x1;
	s7 =	sadd.s32 s22, s5  }
0xa3: {  	[timem:s9], [sflag:s23] =	dma.local [hbm:s7], s21  }
0xa4: {  	_ =	swait.ge [sflag:s23], s21  }
0xa5: {  	s6 =	ssub.s32 $0x0, s21;
	[sflag:s23] =	ssyncset.done $0x0  }
0xa6: {  	[sflag:s23] =	ssyncadd.s32 s6;
	_ =	sdelay $0x1  }
0xa7: {  	s24 =	simm.s32 $0x1B8B  }
0xa8: {  	_ =	swait.ge [sflag:s24], $0x1  }
0xa9: {  	[sflag:s24] =	ssyncset.done $0x0  }
0xaa: {  	s25 =	simm.s32 $0x1B8E;
	[sflag:s24] =	ssyncadd.s32 $0xFFFFFFFF  }
0xab: {  	s26 =	simm.s32 $execute0_lowered;
	[smem:$0x3FD2] =	sst s25  }
0xac: {  	s6 =	sshll.u32 s26, $0x1;
	_ =	strace $0x80000046;
	[dreg:$0x1] =	wrdreg $0xFFFFFFFF  }
0xad: {  	s28 =	simm.s32 $_size_execute0_lowered;
	s5 =	sadd.s32 s5, s6;
	[dreg:$0x0] =	wrdreg $0x0  }
0xae: {  	s6 =	sshll.u32 s28, $0x1;
	[dreg:$0x2] =	wrdreg s5  }
0xaf: {  	[dreg:$0x3] =	wrdreg s6  }
0xb0: {  	[dreg:$0x4] =	wrdreg $0xC0  }
0xb1: {  	_ =	task [dreg:s9], $0x5FFFF  }
0xb2: {  	[dreg:$0x1] =	wrdreg $0xFFFFFFFF  }
0xb3: {  	[dreg:$0x0] =	wrdreg $0x60  }
0xb4: {  	[dreg:$0x2] =	wrdreg s16  }
0xb5: {  	[dreg:$0x3] =	wrdreg s17  }
0xb6: {  	[dreg:$0x4] =	wrdreg s18  }
0xb7: {  	[dreg:$0x5] =	wrdreg $0x9  }
0xb8: {  	_ =	task.clear_ibuf [dreg:s9], $0x6FFFF;
	_ =	strace $0x90000046  }
0xb9: {  	s29 =	simm.s32 $0x9;
	_ =	strace $0x80000048  }
0xba: {  	_ =	swait.ge [sflag:s29], $0x1  }
0xbb: {  	[sflag:s29] =	ssyncadd.s32 $0xFFFFFFFF  }
0xbc: {  	_ =	strace $0x90000048  }
0xbd: {  	_ =	sfence  }
0xbe: {  	s30 =	sld [smem:$0x0];
	_ =	sdelay $0x2  }
0xbf: {  	s31 =	sshll.u32 s1, $0xD;
	s1 =	sshrl.u32 s1, $0x2  }
0xc0: {  	s3 =	sand.u32 $0x4000, s31;
	s1 =	sadd.s32 s1, s30  }
0xc1: {  	s0 =	sor.u32 s3, s0;
	s1 =	sshll.u32 s1, $0x11  }
0xc2: {  	s0 =	sor.u32 s1, s0  }
0xc3: {  	s0 =	sadd.s32 $0x8F2B, s0  }
0xc4: {  	[sflag:s0] =	ssyncadd.remote.s32 $0x1  }
0xc5: {  	_ =	sfence.sel $0xFFFF  }
0xc6: {  	[dreg:$0x0] =	wrdreg $0xFFFFFFFF;
	(pc) =	sbr.abs _section_cstart, $3  }
0xc7: {  	[dreg:$0x1] =	wrdreg $0xFFFFFFFF  }
0xc8: {  	_ =	task.clear_ibuf [dreg:s9], $0x2FFFF;
	_ =	strace $0x9FFFFFFF  }
0xc9: {  	(tm) =	ssettm $0x7FFFFFFF  }
tec
execute0_lowered:
.L_overlay_start_1:
0x0: {  	(tag) =	ssettag $0x1  }
0x1: {  	s1 =	rddreg [dreg:$0x0]  }
0x2: {  	s6 =	rddreg [dreg:$0x1]  }
0x3: {  	s5 =	rddreg [dreg:$0x2]  }
0x4: {  	s3 =	srdreg.scid;
	s0 =	rddreg [dreg:$0x3];
	s2 =	simm.s32 $0x0  }
0x5: {  	s11 =	simm.s32 $0x1880;
	s12 =	simm.s32 $0x2080;
	s13 =	simm.s32 $0x2880  }
0x6: {  	s14 =	simm.s32 $0x3080;
	s15 =	simm.s32 $0x3880;
	s16 =	simm.s32 $0x4080  }
0x7: {  	s17 =	simm.s32 $0x4880;
	s18 =	simm.s32 $0x5080;
	s19 =	simm.s32 $0x5880  }
0x8: {  	s20 =	simm.s32 $0x6080;
	s21 =	simm.s32 $0x6880;
	s22 =	simm.s32 $0x7080  }
0x9: {  	s23 =	simm.s32 $0x7880;
	s24 =	simm.s32 $0x1;
	s25 =	simm.s32 $0x0  }
0xa: {  	s7 =	sand.u32 $0x1, s3;
	[smem:$0x7FF] =	sst s2;
	s3 =	stileid.u32  }
0xb: {  	s4 =	ssub.s32 $0x2, s7;
	_ =	strace $0x80000047;
	s31 =	sshll.u32 s3, $0xA  }
0xc: {  	s9 =	sshll.u32 s7, $0x9;
	s10 =	sshll.u32 s3, $0xF;
	s7 =	sshll.u32 s7, $0xE  }
0xd: {  	s8 =	sshrl.u32 s4, $0x1;
	s5 =	sadd.s32 s10, s5;
	s10 =	simm.s32 $0x1080  }
0xe: {  	v2 =	vlaneseq.u32;
	s4 =	ssub.s32 s4, s8;
	s8 =	sor.u32 s9, s31;
	s5 =	sadd.s32 s7, s5  }
0xf: {  	vm0 =	vmmov $0xffff;
	v1 =	vshrl.u32 v2, $0x3;
	s7 =	simm.s32 $0x2;
	s9 =	simm.s32 $0x880;
	s8 =	sshrl.u32 s8, $0x3  }
0x10: {  	v0 =	vand.u32 $0x7, v2;
	v2 =	vor.u32 $0x8, v2;
	v1 =	vmul.u32 $0x8, v1;
	s4 =	smax.u32 s4, $0x1;
	s6 =	sadd.s32 s8, s6;
	s8 =	simm.s32 $0x80  }
.LBB2_1:
0x11: {  	s26 =	smov.u32 s5;
	s28 =	simm.s32 $0x0  }
.LBB2_2:
0x12: {  	s29 =	sadd.s32 s28, s6  }
0x13: {  	[tilespmem:s2], [sflag:$0x2] =	stream.linear.gather [hbm4b:s29+s2], $0x80, $0x38;
	[tilespmem:$0x8080] =	vst v63  }
0x14: {  	_ =	swait.ge [sflag:s7], $0x80  }
0x15: {  	[sflag:s7] =	ssyncset.done $0x0  }
0x16: {  	[sflag:s7] =	ssyncadd.s32 $0xFFFFFF80  }
0x17: {  	v3 =	vld [tilespmem:$0x0];
	_ =	sdelay $0x4  }
0x18: {  	v4 =	vshll.u32 v3, $0x1  }
0x19: {  	v3 =	vand.u32 $0x7, v3;
	v4 =	vand.u32 $0xFFFFFFF0, v4  }
0x1a: {  	v3 =	vor.u32 v3, v4  }
0x1b: {  	v4 =	vperm.xlane v3, v0;
	_ =	sdelay $0x1  }
0x1c: {  	v3 =	vperm.xlane v3, v2;
	v4 =	vadd.s32 v1, v4;
	_ =	sdelay $0x1  }
0x1d: {  	v3 =	vadd.s32 v1, v3;
	_ =	sdelay $0x2  }
0x1e: {  	[tilespmem:s8], [sflag:$0x1] =	stream.indirect_vreg.gather [hbm4b:s1+s2], $0x80, v4, vm0, $0xb8;
	[tilespmem:$0x8080] =	vst v63  }
0x1f: {  	_ = 	snop  }
0x20: {  	[tilespmem:s9], [sflag:$0x1] =	stream.indirect_vreg.gather [hbm4b:s1+s2], $0x80, v3, vm0, $0xb8;
	[tilespmem:$0x8080] =	vst v63  }
0x21: {  	v3 =	vld [tilespmem:$0x10];
	_ =	sdelay $0x4  }
0x22: {  	v57 =	vshll.u32 v3, $0x1  }
0x23: {  	v3 =	vand.u32 $0x7, v3;
	v4 =	vand.u32 $0xFFFFFFF0, v57  }
0x24: {  	v3 =	vor.u32 v3, v4  }
0x25: {  	v4 =	vperm.xlane v3, v0;
	_ =	sdelay $0x1  }
0x26: {  	v3 =	vperm.xlane v3, v2;
	v4 =	vadd.s32 v1, v4;
	_ =	sdelay $0x1  }
0x27: {  	v3 =	vadd.s32 v1, v3;
	_ =	sdelay $0x2  }
0x28: {  	[tilespmem:s10], [sflag:$0x1] =	stream.indirect_vreg.gather [hbm4b:s1+s2], $0x80, v4, vm0, $0xb8;
	[tilespmem:$0x8080] =	vst v63  }
0x29: {  	_ = 	snop  }
0x2a: {  	[tilespmem:s11], [sflag:$0x1] =	stream.indirect_vreg.gather [hbm4b:s1+s2], $0x80, v3, vm0, $0xb8;
	[tilespmem:$0x8080] =	vst v63  }
0x2b: {  	v3 =	vld [tilespmem:$0x20];
	_ =	sdelay $0x4  }
0x2c: {  	v58 =	vshll.u32 v3, $0x1  }
0x2d: {  	v3 =	vand.u32 $0x7, v3;
	v4 =	vand.u32 $0xFFFFFFF0, v58  }
0x2e: {  	v3 =	vor.u32 v3, v4  }
0x2f: {  	v4 =	vperm.xlane v3, v0;
	_ =	sdelay $0x1  }
0x30: {  	v3 =	vperm.xlane v3, v2;
	v4 =	vadd.s32 v1, v4;
	_ =	sdelay $0x1  }
0x31: {  	v3 =	vadd.s32 v1, v3;
	_ =	sdelay $0x2  }
0x32: {  	[tilespmem:s12], [sflag:$0x1] =	stream.indirect_vreg.gather [hbm4b:s1+s2], $0x80, v4, vm0, $0xb8;
	[tilespmem:$0x8080] =	vst v63  }
0x33: {  	_ = 	snop  }
0x34: {  	[tilespmem:s13], [sflag:$0x1] =	stream.indirect_vreg.gather [hbm4b:s1+s2], $0x80, v3, vm0, $0xb8;
	[tilespmem:$0x8080] =	vst v63  }
0x35: {  	v3 =	vld [tilespmem:$0x30];
	_ =	sdelay $0x4  }
0x36: {  	v59 =	vshll.u32 v3, $0x1  }
0x37: {  	v3 =	vand.u32 $0x7, v3;
	v4 =	vand.u32 $0xFFFFFFF0, v59  }
0x38: {  	v3 =	vor.u32 v3, v4  }
0x39: {  	v4 =	vperm.xlane v3, v0;
	_ =	sdelay $0x1  }
0x3a: {  	v3 =	vperm.xlane v3, v2;
	v4 =	vadd.s32 v1, v4;
	_ =	sdelay $0x1  }
0x3b: {  	v3 =	vadd.s32 v1, v3;
	_ =	sdelay $0x2  }
0x3c: {  	[tilespmem:s14], [sflag:$0x1] =	stream.indirect_vreg.gather [hbm4b:s1+s2], $0x80, v4, vm0, $0xb8;
	[tilespmem:$0x8080] =	vst v63  }
0x3d: {  	_ = 	snop  }
0x3e: {  	[tilespmem:s15], [sflag:$0x1] =	stream.indirect_vreg.gather [hbm4b:s1+s2], $0x80, v3, vm0, $0xb8;
	[tilespmem:$0x8080] =	vst v63  }
0x3f: {  	v3 =	vld [tilespmem:$0x40];
	_ =	sdelay $0x4  }
0x40: {  	v60 =	vshll.u32 v3, $0x1  }
0x41: {  	v3 =	vand.u32 $0x7, v3;
	v4 =	vand.u32 $0xFFFFFFF0, v60  }
0x42: {  	v3 =	vor.u32 v3, v4  }
0x43: {  	v4 =	vperm.xlane v3, v0;
	_ =	sdelay $0x1  }
0x44: {  	v3 =	vperm.xlane v3, v2;
	v4 =	vadd.s32 v1, v4;
	_ =	sdelay $0x1  }
0x45: {  	v3 =	vadd.s32 v1, v3;
	_ =	sdelay $0x2  }
0x46: {  	[tilespmem:s16], [sflag:$0x1] =	stream.indirect_vreg.gather [hbm4b:s1+s2], $0x80, v4, vm0, $0xb8;
	[tilespmem:$0x8080] =	vst v63  }
0x47: {  	_ = 	snop  }
0x48: {  	[tilespmem:s17], [sflag:$0x1] =	stream.indirect_vreg.gather [hbm4b:s1+s2], $0x80, v3, vm0, $0xb8;
	[tilespmem:$0x8080] =	vst v63  }
0x49: {  	v3 =	vld [tilespmem:$0x50];
	_ =	sdelay $0x4  }
0x4a: {  	v61 =	vshll.u32 v3, $0x1  }
0x4b: {  	v3 =	vand.u32 $0x7, v3;
	v4 =	vand.u32 $0xFFFFFFF0, v61  }
0x4c: {  	v3 =	vor.u32 v3, v4  }
0x4d: {  	v4 =	vperm.xlane v3, v0;
	_ =	sdelay $0x1  }
0x4e: {  	v3 =	vperm.xlane v3, v2;
	v4 =	vadd.s32 v1, v4;
	_ =	sdelay $0x1  }
0x4f: {  	v3 =	vadd.s32 v1, v3;
	_ =	sdelay $0x2  }
0x50: {  	[tilespmem:s18], [sflag:$0x1] =	stream.indirect_vreg.gather [hbm4b:s1+s2], $0x80, v4, vm0, $0xb8;
	[tilespmem:$0x8080] =	vst v63  }
0x51: {  	_ = 	snop  }
0x52: {  	[tilespmem:s19], [sflag:$0x1] =	stream.indirect_vreg.gather [hbm4b:s1+s2], $0x80, v3, vm0, $0xb8;
	[tilespmem:$0x8080] =	vst v63  }
0x53: {  	v3 =	vld [tilespmem:$0x60];
	_ =	sdelay $0x4  }
0x54: {  	v62 =	vshll.u32 v3, $0x1  }
0x55: {  	v3 =	vand.u32 $0x7, v3;
	v4 =	vand.u32 $0xFFFFFFF0, v62  }
0x56: {  	v3 =	vor.u32 v3, v4  }
0x57: {  	v4 =	vperm.xlane v3, v0;
	_ =	sdelay $0x1  }
0x58: {  	v3 =	vperm.xlane v3, v2;
	v4 =	vadd.s32 v1, v4;
	_ =	sdelay $0x1  }
0x59: {  	v3 =	vadd.s32 v1, v3;
	_ =	sdelay $0x2  }
0x5a: {  	[tilespmem:s20], [sflag:$0x1] =	stream.indirect_vreg.gather [hbm4b:s1+s2], $0x80, v4, vm0, $0xb8;
	[tilespmem:$0x8080] =	vst v63  }
0x5b: {  	_ = 	snop  }
0x5c: {  	[tilespmem:s21], [sflag:$0x1] =	stream.indirect_vreg.gather [hbm4b:s1+s2], $0x80, v3, vm0, $0xb8;
	[tilespmem:$0x8080] =	vst v63  }
0x5d: {  	v3 =	vld [tilespmem:$0x70];
	_ =	sdelay $0x4  }
0x5e: {  	v63 =	vshll.u32 v3, $0x1  }
0x5f: {  	v3 =	vand.u32 $0x7, v3;
	v4 =	vand.u32 $0xFFFFFFF0, v63  }
0x60: {  	v3 =	vor.u32 v3, v4  }
0x61: {  	v4 =	vperm.xlane v3, v0;
	_ =	sdelay $0x1  }
0x62: {  	v3 =	vperm.xlane v3, v2;
	v4 =	vadd.s32 v1, v4;
	_ =	sdelay $0x1  }
0x63: {  	v3 =	vadd.s32 v1, v3;
	_ =	sdelay $0x2  }
0x64: {  	[tilespmem:s22], [sflag:$0x1] =	stream.indirect_vreg.gather [hbm4b:s1+s2], $0x80, v4, vm0, $0xb8;
	[tilespmem:$0x8080] =	vst v63  }
0x65: {  	_ = 	snop  }
0x66: {  	[tilespmem:s23], [sflag:$0x1] =	stream.indirect_vreg.gather [hbm4b:s1+s2], $0x80, v3, vm0, $0xb8;
	[tilespmem:$0x8080] =	vst v63  }
0x67: {  	_ =	swait.ge [sflag:s24], $0x8000  }
0x68: {  	p0 =	sne.s32 s28, $0x30;
	[sflag:s24] =	ssyncset.done $0x0  }
.Ltmp0:
0x69: {  	[sflag:s24] =	ssyncadd.s32 $0xFFFF8000;
	(pc) =	sbr.rel @p0 .LBB2_2-.Ltmp0, $4  }
0x6a: {  	[hbm4b:s26+s2] =	stream.linear.scatter [tilespmem:s8], [sflag:$0x2], $0x8000, $0x38;
	[tilespmem:$0x8080] =	vst v63  }
0x6b: {  	_ =	swait.ge [sflag:s7], $0x8000  }
0x6c: {  	[sflag:s7] =	ssyncset.done $0x0  }
0x6d: {  	s28 =	sadd.s32 $0x10, s28;
	s26 =	sadd.s32 $0x1000, s26;
	[sflag:s7] =	ssyncadd.s32 $0xFFFF8000  }
0x6e: {  	s25 =	sadd.s32 $0x1, s25  }
0x6f: {  	p0 =	sne.s32 s25, s4  }
.Ltmp1:
0x70: {  	_ = 	snop;
	(pc) =	sbr.rel @p0 .LBB2_1-.Ltmp1, $1  }
0x71: {  	_ =	sdelay $0x3  }
0x72: {  	_ =	sfence.sel $0x180000  }
0x73: {  	[bflag:$0x0] =	sbarrier.arrive $0xFFFF  }
0x74: {  	p0 =	sne.s32 s3, $0x0;
	_ =	strace $0x90000047  }
0x75: {  	s0 =	sadd.s32 @!p0 $0x100000, s0;
	[bflag:$0x2] =	sbarrier.arrive $0xFFFF  }
0x76: {  	[sflag:s0] =	ssyncadd.tile.s32 @!p0 $0x1;
	_ =	shalt  }
.Lfunc_end2:
_tile_overlayer_lowered:
.L_overlay_start_2:
0x77: {  	(tag) =	ssettag $0x2  }
0x78: {  	s0 =	rddreg [dreg:$0x0];
	s2 =	stileid.u32  }
0x79: {  	s1 =	rddreg [dreg:$0x1];
	p0 =	sne.s32 s2, $0x0  }
0x7a: {  	s3 =	rddreg [dreg:$0x2];
	[bflag:$0x3] =	sbarrier.arrive $0xFFFF;
	s2 =	simm.s32 @!p0 $0x1C02  }
0x7b: {  	[timem:s3], [sflag:s2] =	dma.local @!p0 [hbm:s0], s1  }
0x7c: {  	s0 =	simm.s32 @!p0 $0x2  }
0x7d: {  	_ =	swait.ge @!p0 [sflag:s0], s1  }
0x7e: {  	s1 =	ssub.s32 @!p0 $0x0, s1;
	[sflag:s0] =	ssyncset.done @!p0 $0x0  }
0x7f: {  	[sflag:s0] =	ssyncadd.s32 @!p0 s1  }
0x80: {  	[bflag:$0x3] =	sbarrier.arrive $0xFFFF  }
0x81: {  	_ =	shalt  }

</sc_bundles>
